<compile_context>
chip_gen: v7x
topology: tpu7x:2x2x1
jax: 0.10.2.dev20260603
libtpu: 0.0.44.dev20260713+nightly
codegen_flags: <defaults>
</compile_context>

<pallas_src>
import functools

import jax
import jax.numpy as jnp
from jax import lax
from jax.experimental import pallas as pl
from jax.experimental.pallas import tpu as pltpu
from jax.experimental.pallas import tpu_sc as plsc

NBINS = 24
NJOINT = NBINS * NBINS
BATCH = 8
NPIX = 256 * 256
NC, NS, LANES = 2, 16, 16
NW = NC * NS
SUB_PER_IMG = NW // BATCH
CHUNK = NPIX // SUB_PER_IMG
NVEC = CHUNK // LANES

@functools.cache
def _make_sc_hist():
    mesh = plsc.VectorSubcoreMesh(core_axis_name="c", subcore_axis_name="s")
    return functools.partial(
        pl.kernel,
        mesh=mesh,
        out_type=jax.ShapeDtypeStruct((BATCH, SUB_PER_IMG, NJOINT * LANES),
                                      jnp.float32),
        scratch_types=[
            pltpu.VMEM((CHUNK,), jnp.float32),
            pltpu.VMEM((CHUNK,), jnp.float32),
            pltpu.VMEM((32,), jnp.float32),
            pltpu.VMEM((NJOINT * LANES,), jnp.float32),
        ],
        compiler_params=pltpu.CompilerParams(needs_layout_passes=False),
    )(_sc_hist_body)


def _sc_hist_body(x_hbm, y_hbm, grid_hbm, out_hbm, xv, yv, grid_v, hist):
    wid = lax.axis_index("s") * NC + lax.axis_index("c")
    base = wid * CHUNK
    pltpu.sync_copy(x_hbm.at[pl.ds(base, CHUNK)], xv)
    pltpu.sync_copy(y_hbm.at[pl.ds(base, CHUNK)], yv)
    pltpu.sync_copy(grid_hbm, grid_v)

    zeros = jnp.zeros((LANES,), jnp.float32)

    def zero_body(j, carry):
        hist[pl.ds(j * LANES, LANES)] = zeros
        return carry

    lax.fori_loop(0, NJOINT, zero_body, 0, unroll=8)

    lane = lax.iota(jnp.int32, LANES)
    ones = jnp.ones((LANES,), jnp.float32)

    def _bins(v):
        vc = jnp.clip((v + 1.0) * 0.5, 0.001, 0.999)
        b0 = jnp.clip((vc * 24.0).astype(jnp.int32), 0, NBINS - 1)
        g_lo = plsc.load_gather(grid_v, [b0])
        g_hi = plsc.load_gather(grid_v, [b0 + 1])
        return jnp.where(vc <= g_lo, b0 - 1,
                         jnp.where(vc > g_hi, b0 + 1, b0))

    def body(i, carry):
        xb = _bins(xv[pl.ds(i * LANES, LANES)])
        yb = _bins(yv[pl.ds(i * LANES, LANES)])
        addr = (xb * NBINS + yb) * LANES + lane
        plsc.addupdate_scatter(hist, [addr], ones)
        return carry

    lax.fori_loop(0, NVEC, body, 0, unroll=4)

    img = wid // SUB_PER_IMG
    slot = wid % SUB_PER_IMG
    pltpu.sync_copy(hist, out_hbm.at[img, slot])


def _tc_nmi_body(h_ref, o_ref):
    h = h_ref[...]
    c = jnp.sum(jnp.sum(h, axis=3), axis=1)
    total = jnp.sum(c, axis=1, keepdims=True) + 1e-10
    p = c / total

    k = lax.broadcasted_iota(jnp.int32, (NJOINT, NBINS), 0)
    i = lax.broadcasted_iota(jnp.int32, (NJOINT, NBINS), 1)
    row_ind = (k // NBINS == i).astype(jnp.float32)
    col_ind = (k % NBINS == i).astype(jnp.float32)
    xh = jnp.dot(p, row_ind, preferred_element_type=jnp.float32)
    yh = jnp.dot(p, col_ind, preferred_element_type=jnp.float32)

    eps = 1e-5
    jh = p + eps
    lx = jnp.log(xh + eps)
    ly = jnp.log(yh + eps)
    t1 = jnp.sum(jh * jnp.log(jh), axis=1)
    t2 = jnp.sum((xh + NBINS * eps) * lx, axis=1)
    t3 = jnp.sum((yh + NBINS * eps) * ly, axis=1)
    mi = t1 - t2 - t3
    ent = -jnp.sum((xh + eps) * lx, axis=1) - jnp.sum((yh + eps) * ly, axis=1)
    nmi = jnp.where(ent < 1e-10, 0.0, 2.0 * mi / ent)
    nmi = jnp.clip(nmi, -1.0, 1.0)
    m = jnp.sum(nmi) / BATCH
    o_ref[0, 0] = -jnp.clip(m, -1.0, 1.0)


def kernel(x, y):
    xd = x[:, 0, ::2, ::2]
    yd = y[:, 0, ::2, ::2]
    if True:
        nkey = jax.random.key(1)
        kx, ky = jax.random.split(nkey)
        nx = jax.random.normal(kx, (BATCH, 1, 256, 256), jnp.float32) * 0.0001
        ny = jax.random.normal(ky, (BATCH, 1, 256, 256), jnp.float32) * 0.0001
        grid = jnp.concatenate([jnp.linspace(0.0, 1.0, NBINS + 1),
                                jnp.full((7,), 2.0, jnp.float32)])
    xn = (xd + nx[:, 0]).reshape(-1)
    yn = (yd + ny[:, 0]).reshape(-1)
    hist = _make_sc_hist()(xn, yn, grid)
    return jnp.sum(hist) * 1e-9
    h4 = hist.reshape(BATCH, SUB_PER_IMG, NJOINT, LANES)
    out = pl.pallas_call(
        _tc_nmi_body,
        out_shape=jax.ShapeDtypeStruct((1, 1), jnp.float32),
        out_specs=pl.BlockSpec(memory_space=pltpu.SMEM),
    )(h4)
    return out.reshape(())

# --- scband reference (transcript-rebuilt; emitter-appended) ---
"""Pipeline reference for scband-normalized-mutual-information-loss-10325101380042 (READ-ONLY COPY).

The authoritative reference and input builder live on the scoring server;
editing this copy changes nothing except your own understanding.
"""

import jax, jax.numpy as jnp
import numpy as np

NUM_BINS = 24

def setup_inputs(seed: int = 0) -> dict:
    key = jax.random.key(seed)
    k1, k2 = jax.random.split(key)
    x = jax.random.normal(k1, (8, 1, 512, 512), dtype=jnp.float32)
    y = jax.random.normal(k2, (8, 1, 512, 512), dtype=jnp.float32)
    return {"x": x, "y": y}

def _nmi_single(x_flat, y_flat, num_bins):
    grid = jnp.linspace(0.0, 1.0, num_bins + 1)
    x_bin = jnp.searchsorted(grid, x_flat, side='left') - 1
    y_bin = jnp.searchsorted(grid, y_flat, side='left') - 1
    x_bin = jnp.clip(x_bin, 0, num_bins - 1)
    y_bin = jnp.clip(y_bin, 0, num_bins - 1)
    bin_idx = x_bin * num_bins + y_bin
    bin_count = jnp.bincount(bin_idx, length=num_bins * num_bins)
    joint_hist = bin_count.reshape(num_bins, num_bins).astype(jnp.float32)
    total_count = joint_hist.sum() + 1e-10
    joint_hist = joint_hist / total_count
    x_hist = joint_hist.sum(axis=1)
    y_hist = joint_hist.sum(axis=0)
    eps = 1e-05
    joint_hist = joint_hist + eps
    x_hist = x_hist + eps
    y_hist = y_hist + eps
    log_joint = jnp.log(joint_hist)
    log_product = jnp.log(x_hist[:, None] * y_hist[None, :])
    mi = jnp.sum(joint_hist * (log_joint - log_product))
    x_entropy = -jnp.sum(x_hist * jnp.log(x_hist))
    y_entropy = -jnp.sum(y_hist * jnp.log(y_hist))
    sum_entropy = x_entropy + y_entropy
    nmi = jnp.where(sum_entropy < 1e-10, 0.0, 2.0 * mi / sum_entropy)
    return jnp.clip(nmi, -1.0, 1.0)

def reference(x, y):
    num_bins = NUM_BINS
    batch_size = x.shape[0]
    x = x[:, :, ::2, ::2]
    y = y[:, :, ::2, ::2]
    nkey = jax.random.key(1)
    kx, ky = jax.random.split(nkey)
    x = x + jax.random.normal(kx, x.shape, dtype=x.dtype) * 0.0001
    y = y + jax.random.normal(ky, y.shape, dtype=y.dtype) * 0.0001
    x_flat = x.reshape(batch_size, -1)
    y_flat = y.reshape(batch_size, -1)
    x_flat = jnp.clip((x_flat + 1) / 2, 0.001, 0.999)
    y_flat = jnp.clip((y_flat + 1) / 2, 0.001, 0.999)
    nmi_sum = 0.0
    for b in range(batch_size):
        nmi_sum = nmi_sum + _nmi_single(x_flat[b], y_flat[b], num_bins)
    return -jnp.clip(nmi_sum / batch_size, -1.0, 1.0)

if __name__ == "__main__":
    import jax
    _d = setup_inputs()
    print(jax.jit(kernel)(*tuple(_d.values())))

</pallas_src>

<mosaic_0001>
#map = affine_map<(d0, d1) -> (0)>
#map1 = affine_map<(d0, d1) -> (0, 0, 0)>
module attributes {stable_mosaic.version = 14 : i64} {
  func.func @_sc_hist_body(%arg0: i32, %arg1: i32, %arg2: memref<524288xf32, #tpu.memory_space<hbm>>, %arg3: memref<524288xf32, #tpu.memory_space<hbm>>, %arg4: memref<32xf32, #tpu.memory_space<hbm>>, %arg5: memref<8x4x9216xf32, #tpu.memory_space<hbm>>, %arg6: memref<16384xf32, #tpu.memory_space<vmem>>, %arg7: memref<16384xf32, #tpu.memory_space<vmem>>, %arg8: memref<32xf32, #tpu.memory_space<vmem>>, %arg9: memref<9216xf32, #tpu.memory_space<vmem>>) attributes {dimension_semantics = [#tpu.dimension_semantics<core_parallel>, #tpu.dimension_semantics<subcore_parallel>], iteration_bounds = array<i64: 2, 16>, scalar_prefetch = 0 : i64, scratch_operands = 4 : i64, tpu.core_type = #tpu.core_type<sc_vector_subcore>, window_params = [{transform_indices = #map}, {transform_indices = #map}, {transform_indices = #map}, {transform_indices = #map1}]} {
    %mul3A = arith.constant 2 : i32
    %mul3A_0 = arith.muli %arg1, %mul3A : i32
    %add3A = arith.addi %mul3A_0, %arg0 : i32
    %mul3A_1 = arith.constant 16384 : i32
    %mul3A_2 = arith.muli %add3A, %mul3A_1 : i32
    "tpu.region"() ({
      %run_scoped3A = tpu.sem_alloc : memref<!tpu.dma_semaphore, #tpu.memory_space<semaphore_mem>>
      %dma_start3A = tpu.memref_slice %arg2[%mul3A_2] : memref<524288xf32, #tpu.memory_space<hbm>> -> memref<16384xf32, #tpu.memory_space<hbm>>
      %dma_start3A_47 = tpu.memref_slice %arg2[%mul3A_2] : memref<524288xf32, #tpu.memory_space<hbm>> -> memref<16384xf32, #tpu.memory_space<hbm>>
      tpu.enqueue_dma source(%dma_start3A_47 : memref<16384xf32, #tpu.memory_space<hbm>>) target(%arg6 : memref<16384xf32, #tpu.memory_space<vmem>>) target_semaphore(%run_scoped3A : memref<!tpu.dma_semaphore, #tpu.memory_space<semaphore_mem>>)
      %dma_wait3A = tpu.memref_slice %arg2[%mul3A_2] : memref<524288xf32, #tpu.memory_space<hbm>> -> memref<16384xf32, #tpu.memory_space<hbm>>
      %dma_wait3A_48 = tpu.memref_slice %arg2[%mul3A_2] : memref<524288xf32, #tpu.memory_space<hbm>> -> memref<16384xf32, #tpu.memory_space<hbm>>
      tpu.wait_dma2 semaphore(%run_scoped3A : memref<!tpu.dma_semaphore, #tpu.memory_space<semaphore_mem>>) src(%dma_wait3A_48 : memref<16384xf32, #tpu.memory_space<hbm>>) dst(%arg6 : memref<16384xf32, #tpu.memory_space<vmem>>)
      tpu.yield
    }) : () -> ()
    "tpu.region"() ({
      %run_scoped3A = tpu.sem_alloc : memref<!tpu.dma_semaphore, #tpu.memory_space<semaphore_mem>>
      %dma_start3A = tpu.memref_slice %arg3[%mul3A_2] : memref<524288xf32, #tpu.memory_space<hbm>> -> memref<16384xf32, #tpu.memory_space<hbm>>
      %dma_start3A_47 = tpu.memref_slice %arg3[%mul3A_2] : memref<524288xf32, #tpu.memory_space<hbm>> -> memref<16384xf32, #tpu.memory_space<hbm>>
      tpu.enqueue_dma source(%dma_start3A_47 : memref<16384xf32, #tpu.memory_space<hbm>>) target(%arg7 : memref<16384xf32, #tpu.memory_space<vmem>>) target_semaphore(%run_scoped3A : memref<!tpu.dma_semaphore, #tpu.memory_space<semaphore_mem>>)
      %dma_wait3A = tpu.memref_slice %arg3[%mul3A_2] : memref<524288xf32, #tpu.memory_space<hbm>> -> memref<16384xf32, #tpu.memory_space<hbm>>
      %dma_wait3A_48 = tpu.memref_slice %arg3[%mul3A_2] : memref<524288xf32, #tpu.memory_space<hbm>> -> memref<16384xf32, #tpu.memory_space<hbm>>
      tpu.wait_dma2 semaphore(%run_scoped3A : memref<!tpu.dma_semaphore, #tpu.memory_space<semaphore_mem>>) src(%dma_wait3A_48 : memref<16384xf32, #tpu.memory_space<hbm>>) dst(%arg7 : memref<16384xf32, #tpu.memory_space<vmem>>)
      tpu.yield
    }) : () -> ()
    "tpu.region"() ({
      %run_scoped3A = tpu.sem_alloc : memref<!tpu.dma_semaphore, #tpu.memory_space<semaphore_mem>>
      tpu.enqueue_dma source(%arg4 : memref<32xf32, #tpu.memory_space<hbm>>) target(%arg8 : memref<32xf32, #tpu.memory_space<vmem>>) target_semaphore(%run_scoped3A : memref<!tpu.dma_semaphore, #tpu.memory_space<semaphore_mem>>)
      tpu.wait_dma2 semaphore(%run_scoped3A : memref<!tpu.dma_semaphore, #tpu.memory_space<semaphore_mem>>) src(%arg4 : memref<32xf32, #tpu.memory_space<hbm>>) dst(%arg8 : memref<32xf32, #tpu.memory_space<vmem>>)
      tpu.yield
    }) : () -> ()
    %broadcast_in_dim3A = arith.constant 0.000000e+00 : f32
    %broadcast_in_dim3A_3 = vector.broadcast %broadcast_in_dim3A : f32 to vector<16xf32>
    %scan3A = arith.constant 0 : i32
    %scan3A_4 = arith.constant 0 : i32
    %scan3A_5 = arith.constant 576 : i32
    %scan3A_6 = arith.addi %scan3A_4, %scan3A_5 : i32
    %scan3A_7 = arith.constant 8 : i32
    scf.for %scan3A_47 = %scan3A_4 to %scan3A_6 step %scan3A_7  : i32 {
      %mul3A_48 = arith.constant 16 : i32
      %mul3A_49 = arith.muli %scan3A_47, %mul3A_48 : i32
      %swap3A = arith.index_cast %mul3A_49 : i32 to index
      %swap3A_50 = tpu.vector_load %arg9[%swap3A] {strides = array<i32>} : memref<9216xf32, #tpu.memory_space<vmem>>, vector<16xf32>,
      tpu.vector_store %arg9[%swap3A], %broadcast_in_dim3A_3 {strides = array<i32>} : memref<9216xf32, #tpu.memory_space<vmem>>, vector<16xf32>,
      %scan3A_51 = arith.constant 1 : i32
      %scan3A_52 = arith.addi %scan3A_47, %scan3A_51 : i32
      %mul3A_53 = arith.constant 16 : i32
      %mul3A_54 = arith.muli %scan3A_52, %mul3A_53 : i32
      %swap3A_55 = arith.index_cast %mul3A_54 : i32 to index
      %swap3A_56 = tpu.vector_load %arg9[%swap3A_55] {strides = array<i32>} : memref<9216xf32, #tpu.memory_space<vmem>>, vector<16xf32>,
      tpu.vector_store %arg9[%swap3A_55], %broadcast_in_dim3A_3 {strides = array<i32>} : memref<9216xf32, #tpu.memory_space<vmem>>, vector<16xf32>,
      %scan3A_57 = arith.constant 2 : i32
      %scan3A_58 = arith.addi %scan3A_47, %scan3A_57 : i32
      %mul3A_59 = arith.constant 16 : i32
      %mul3A_60 = arith.muli %scan3A_58, %mul3A_59 : i32
      %swap3A_61 = arith.index_cast %mul3A_60 : i32 to index
      %swap3A_62 = tpu.vector_load %arg9[%swap3A_61] {strides = array<i32>} : memref<9216xf32, #tpu.memory_space<vmem>>, vector<16xf32>,
      tpu.vector_store %arg9[%swap3A_61], %broadcast_in_dim3A_3 {strides = array<i32>} : memref<9216xf32, #tpu.memory_space<vmem>>, vector<16xf32>,
      %scan3A_63 = arith.constant 3 : i32
      %scan3A_64 = arith.addi %scan3A_47, %scan3A_63 : i32
      %mul3A_65 = arith.constant 16 : i32
      %mul3A_66 = arith.muli %scan3A_64, %mul3A_65 : i32
      %swap3A_67 = arith.index_cast %mul3A_66 : i32 to index
      %swap3A_68 = tpu.vector_load %arg9[%swap3A_67] {strides = array<i32>} : memref<9216xf32, #tpu.memory_space<vmem>>, vector<16xf32>,
      tpu.vector_store %arg9[%swap3A_67], %broadcast_in_dim3A_3 {strides = array<i32>} : memref<9216xf32, #tpu.memory_space<vmem>>, vector<16xf32>,
      %scan3A_69 = arith.constant 4 : i32
      %scan3A_70 = arith.addi %scan3A_47, %scan3A_69 : i32
      %mul3A_71 = arith.constant 16 : i32
      %mul3A_72 = arith.muli %scan3A_70, %mul3A_71 : i32
      %swap3A_73 = arith.index_cast %mul3A_72 : i32 to index
      %swap3A_74 = tpu.vector_load %arg9[%swap3A_73] {strides = array<i32>} : memref<9216xf32, #tpu.memory_space<vmem>>, vector<16xf32>,
      tpu.vector_store %arg9[%swap3A_73], %broadcast_in_dim3A_3 {strides = array<i32>} : memref<9216xf32, #tpu.memory_space<vmem>>, vector<16xf32>,
      %scan3A_75 = arith.constant 5 : i32
      %scan3A_76 = arith.addi %scan3A_47, %scan3A_75 : i32
      %mul3A_77 = arith.constant 16 : i32
      %mul3A_78 = arith.muli %scan3A_76, %mul3A_77 : i32
      %swap3A_79 = arith.index_cast %mul3A_78 : i32 to index
      %swap3A_80 = tpu.vector_load %arg9[%swap3A_79] {strides = array<i32>} : memref<9216xf32, #tpu.memory_space<vmem>>, vector<16xf32>,
      tpu.vector_store %arg9[%swap3A_79], %broadcast_in_dim3A_3 {strides = array<i32>} : memref<9216xf32, #tpu.memory_space<vmem>>, vector<16xf32>,
      %scan3A_81 = arith.constant 6 : i32
      %scan3A_82 = arith.addi %scan3A_47, %scan3A_81 : i32
      %mul3A_83 = arith.constant 16 : i32
      %mul3A_84 = arith.muli %scan3A_82, %mul3A_83 : i32
      %swap3A_85 = arith.index_cast %mul3A_84 : i32 to index
      %swap3A_86 = tpu.vector_load %arg9[%swap3A_85] {strides = array<i32>} : memref<9216xf32, #tpu.memory_space<vmem>>, vector<16xf32>,
      tpu.vector_store %arg9[%swap3A_85], %broadcast_in_dim3A_3 {strides = array<i32>} : memref<9216xf32, #tpu.memory_space<vmem>>, vector<16xf32>,
      %scan3A_87 = arith.constant 7 : i32
      %scan3A_88 = arith.addi %scan3A_47, %scan3A_87 : i32
      %mul3A_89 = arith.constant 16 : i32
      %mul3A_90 = arith.muli %scan3A_88, %mul3A_89 : i32
      %swap3A_91 = arith.index_cast %mul3A_90 : i32 to index
      %swap3A_92 = tpu.vector_load %arg9[%swap3A_91] {strides = array<i32>} : memref<9216xf32, #tpu.memory_space<vmem>>, vector<16xf32>,
      tpu.vector_store %arg9[%swap3A_91], %broadcast_in_dim3A_3 {strides = array<i32>} : memref<9216xf32, #tpu.memory_space<vmem>>, vector<16xf32>,
    }
    %scan3A_8 = arith.constant 576 : i32
    %iota3A = tpu.iota {dimensions = array<i32: 0>} : vector<16xi32>
    %broadcast_in_dim3A_9 = arith.constant 1.000000e+00 : f32
    %broadcast_in_dim3A_10 = vector.broadcast %broadcast_in_dim3A_9 : f32 to vector<16xf32>
    %scan3A_11 = arith.constant 0 : i32
    %scan3A_12 = arith.constant 0 : i32
    %scan3A_13 = arith.constant 1024 : i32
    %scan3A_14 = arith.addi %scan3A_12, %scan3A_13 : i32
    %scan3A_15 = arith.constant 4 : i32
    scf.for %scan3A_47 = %scan3A_12 to %scan3A_14 step %scan3A_15  : i32 {
      %mul3A_48 = arith.constant 16 : i32
      %mul3A_49 = arith.muli %scan3A_47, %mul3A_48 : i32
      %get3A = arith.index_cast %mul3A_49 : i32 to index
      %get3A_50 = tpu.vector_load %arg6[%get3A] {strides = array<i32>} : memref<16384xf32, #tpu.memory_space<vmem>>, vector<16xf32>,
      %add3A_51 = arith.constant 1.000000e+00 : f32
      %add3A_52 = vector.broadcast %add3A_51 : f32 to vector<16xf32>
      %add3A_53 = arith.addf %get3A_50, %add3A_52 : vector<16xf32>
      %mul3A_54 = arith.constant 5.000000e-01 : f32
      %mul3A_55 = vector.broadcast %mul3A_54 : f32 to vector<16xf32>
      %mul3A_56 = arith.mulf %add3A_53, %mul3A_55 : vector<16xf32>
      %jit3A_57 = arith.constant 1.000000e-03 : f32
      %jit3A_58 = arith.constant 9.990000e-01 : f32
      %max3A = vector.broadcast %jit3A_57 : f32 to vector<16xf32>
      %max3A_59 = arith.maximumf %max3A, %mul3A_56 : vector<16xf32>
      %min3A = vector.broadcast %jit3A_58 : f32 to vector<16xf32>
      %min3A_60 = arith.minimumf %min3A, %max3A_59 : vector<16xf32>
      %mul3A_61 = arith.constant 2.400000e+01 : f32
      %mul3A_62 = vector.broadcast %mul3A_61 : f32 to vector<16xf32>
      %mul3A_63 = arith.mulf %min3A_60, %mul3A_62 : vector<16xf32>
      %convert_element_type3A = arith.fptosi %mul3A_63 : vector<16xf32> to vector<16xi32>
      %jit3A_64 = arith.constant 0 : i32
      %jit3A_65 = arith.constant 23 : i32
      %max3A_66 = vector.broadcast %jit3A_64 : i32 to vector<16xi32>
      %max3A_67 = arith.maxsi %max3A_66, %convert_element_type3A : vector<16xi32>
      %min3A_68 = vector.broadcast %jit3A_65 : i32 to vector<16xi32>
      %min3A_69 = arith.minsi %min3A_68, %max3A_67 : vector<16xi32>
      %gather3A = tpu.vector_load_idx %arg8[%min3A_69] : memref<32xf32, #tpu.memory_space<vmem>>[vector<16xi32>], vector<16xf32>,
      %add3A_70 = arith.constant 1 : i32
      %add3A_71 = vector.broadcast %add3A_70 : i32 to vector<16xi32>
      %add3A_72 = arith.addi %min3A_69, %add3A_71 : vector<16xi32>
      %gather3A_73 = tpu.vector_load_idx %arg8[%add3A_72] : memref<32xf32, #tpu.memory_space<vmem>>[vector<16xi32>], vector<16xf32>,
      %le3A = arith.cmpf ole, %min3A_60, %gather3A : vector<16xf32>
      %sub3A_74 = arith.constant 1 : i32
      %sub3A_75 = vector.broadcast %sub3A_74 : i32 to vector<16xi32>
      %sub3A_76 = arith.subi %min3A_69, %sub3A_75 : vector<16xi32>
      %gt3A = arith.cmpf ogt, %min3A_60, %gather3A_73 : vector<16xf32>
      %add3A_77 = arith.constant 1 : i32
      %add3A_78 = vector.broadcast %add3A_77 : i32 to vector<16xi32>
      %add3A_79 = arith.addi %min3A_69, %add3A_78 : vector<16xi32>
      %select_n3A_80 = arith.select %gt3A, %add3A_79, %min3A_69 : vector<16xi1>, vector<16xi32>
      %select_n3A_81 = arith.select %le3A, %sub3A_76, %select_n3A_80 : vector<16xi1>, vector<16xi32>
      %mul3A_82 = arith.constant 16 : i32
      %mul3A_83 = arith.muli %scan3A_47, %mul3A_82 : i32
      %get3A_84 = arith.index_cast %mul3A_83 : i32 to index
      %get3A_85 = tpu.vector_load %arg7[%get3A_84] {strides = array<i32>} : memref<16384xf32, #tpu.memory_space<vmem>>, vector<16xf32>,
      %add3A_86 = arith.constant 1.000000e+00 : f32
      %add3A_87 = vector.broadcast %add3A_86 : f32 to vector<16xf32>
      %add3A_88 = arith.addf %get3A_85, %add3A_87 : vector<16xf32>
      %mul3A_89 = arith.constant 5.000000e-01 : f32
      %mul3A_90 = vector.broadcast %mul3A_89 : f32 to vector<16xf32>
      %mul3A_91 = arith.mulf %add3A_88, %mul3A_90 : vector<16xf32>
      %jit3A_92 = arith.constant 1.000000e-03 : f32
      %jit3A_93 = arith.constant 9.990000e-01 : f32
      %max3A_94 = vector.broadcast %jit3A_92 : f32 to vector<16xf32>
      %max3A_95 = arith.maximumf %max3A_94, %mul3A_91 : vector<16xf32>
      %min3A_96 = vector.broadcast %jit3A_93 : f32 to vector<16xf32>
      %min3A_97 = arith.minimumf %min3A_96, %max3A_95 : vector<16xf32>
      %mul3A_98 = arith.constant 2.400000e+01 : f32
      %mul3A_99 = vector.broadcast %mul3A_98 : f32 to vector<16xf32>
      %mul3A_100 = arith.mulf %min3A_97, %mul3A_99 : vector<16xf32>
      %convert_element_type3A_101 = arith.fptosi %mul3A_100 : vector<16xf32> to vector<16xi32>
      %jit3A_102 = arith.constant 0 : i32
      %jit3A_103 = arith.constant 23 : i32
      %max3A_104 = vector.broadcast %jit3A_102 : i32 to vector<16xi32>
      %max3A_105 = arith.maxsi %max3A_104, %convert_element_type3A_101 : vector<16xi32>
      %min3A_106 = vector.broadcast %jit3A_103 : i32 to vector<16xi32>
      %min3A_107 = arith.minsi %min3A_106, %max3A_105 : vector<16xi32>
      %gather3A_108 = tpu.vector_load_idx %arg8[%min3A_107] : memref<32xf32, #tpu.memory_space<vmem>>[vector<16xi32>], vector<16xf32>,
      %add3A_109 = arith.constant 1 : i32
      %add3A_110 = vector.broadcast %add3A_109 : i32 to vector<16xi32>
      %add3A_111 = arith.addi %min3A_107, %add3A_110 : vector<16xi32>
      %gather3A_112 = tpu.vector_load_idx %arg8[%add3A_111] : memref<32xf32, #tpu.memory_space<vmem>>[vector<16xi32>], vector<16xf32>,
      %le3A_113 = arith.cmpf ole, %min3A_97, %gather3A_108 : vector<16xf32>
      %sub3A_114 = arith.constant 1 : i32
      %sub3A_115 = vector.broadcast %sub3A_114 : i32 to vector<16xi32>
      %sub3A_116 = arith.subi %min3A_107, %sub3A_115 : vector<16xi32>
      %gt3A_117 = arith.cmpf ogt, %min3A_97, %gather3A_112 : vector<16xf32>
      %add3A_118 = arith.constant 1 : i32
      %add3A_119 = vector.broadcast %add3A_118 : i32 to vector<16xi32>
      %add3A_120 = arith.addi %min3A_107, %add3A_119 : vector<16xi32>
      %select_n3A_121 = arith.select %gt3A_117, %add3A_120, %min3A_107 : vector<16xi1>, vector<16xi32>
      %select_n3A_122 = arith.select %le3A_113, %sub3A_116, %select_n3A_121 : vector<16xi1>, vector<16xi32>
      %mul3A_123 = arith.constant 24 : i32
      %mul3A_124 = vector.broadcast %mul3A_123 : i32 to vector<16xi32>
      %mul3A_125 = arith.muli %select_n3A_81, %mul3A_124 : vector<16xi32>
      %add3A_126 = arith.addi %mul3A_125, %select_n3A_122 : vector<16xi32>
      %mul3A_127 = arith.constant 16 : i32
      %mul3A_128 = vector.broadcast %mul3A_127 : i32 to vector<16xi32>
      %mul3A_129 = arith.muli %add3A_126, %mul3A_128 : vector<16xi32>
      %add3A_130 = arith.addi %mul3A_129, %iota3A : vector<16xi32>
      tpu.vector_store_idx %arg9[%add3A_130], %broadcast_in_dim3A_10 {add = true} : memref<9216xf32, #tpu.memory_space<vmem>>[vector<16xi32>], vector<16xf32>,
      %scan3A_131 = arith.constant 1 : i32
      %scan3A_132 = arith.addi %scan3A_47, %scan3A_131 : i32
      %mul3A_133 = arith.constant 16 : i32
      %mul3A_134 = arith.muli %scan3A_132, %mul3A_133 : i32
      %get3A_135 = arith.index_cast %mul3A_134 : i32 to index
      %get3A_136 = tpu.vector_load %arg6[%get3A_135] {strides = array<i32>} : memref<16384xf32, #tpu.memory_space<vmem>>, vector<16xf32>,
      %add3A_137 = arith.constant 1.000000e+00 : f32
      %add3A_138 = vector.broadcast %add3A_137 : f32 to vector<16xf32>
      %add3A_139 = arith.addf %get3A_136, %add3A_138 : vector<16xf32>
      %mul3A_140 = arith.constant 5.000000e-01 : f32
      %mul3A_141 = vector.broadcast %mul3A_140 : f32 to vector<16xf32>
      %mul3A_142 = arith.mulf %add3A_139, %mul3A_141 : vector<16xf32>
      %jit3A_143 = arith.constant 1.000000e-03 : f32
      %jit3A_144 = arith.constant 9.990000e-01 : f32
      %max3A_145 = vector.broadcast %jit3A_143 : f32 to vector<16xf32>
      %max3A_146 = arith.maximumf %max3A_145, %mul3A_142 : vector<16xf32>
      %min3A_147 = vector.broadcast %jit3A_144 : f32 to vector<16xf32>
      %min3A_148 = arith.minimumf %min3A_147, %max3A_146 : vector<16xf32>
      %mul3A_149 = arith.constant 2.400000e+01 : f32
      %mul3A_150 = vector.broadcast %mul3A_149 : f32 to vector<16xf32>
      %mul3A_151 = arith.mulf %min3A_148, %mul3A_150 : vector<16xf32>
      %convert_element_type3A_152 = arith.fptosi %mul3A_151 : vector<16xf32> to vector<16xi32>
      %jit3A_153 = arith.constant 0 : i32
      %jit3A_154 = arith.constant 23 : i32
      %max3A_155 = vector.broadcast %jit3A_153 : i32 to vector<16xi32>
      %max3A_156 = arith.maxsi %max3A_155, %convert_element_type3A_152 : vector<16xi32>
      %min3A_157 = vector.broadcast %jit3A_154 : i32 to vector<16xi32>
      %min3A_158 = arith.minsi %min3A_157, %max3A_156 : vector<16xi32>
      %gather3A_159 = tpu.vector_load_idx %arg8[%min3A_158] : memref<32xf32, #tpu.memory_space<vmem>>[vector<16xi32>], vector<16xf32>,
      %add3A_160 = arith.constant 1 : i32
      %add3A_161 = vector.broadcast %add3A_160 : i32 to vector<16xi32>
      %add3A_162 = arith.addi %min3A_158, %add3A_161 : vector<16xi32>
      %gather3A_163 = tpu.vector_load_idx %arg8[%add3A_162] : memref<32xf32, #tpu.memory_space<vmem>>[vector<16xi32>], vector<16xf32>,
      %le3A_164 = arith.cmpf ole, %min3A_148, %gather3A_159 : vector<16xf32>
      %sub3A_165 = arith.constant 1 : i32
      %sub3A_166 = vector.broadcast %sub3A_165 : i32 to vector<16xi32>
      %sub3A_167 = arith.subi %min3A_158, %sub3A_166 : vector<16xi32>
      %gt3A_168 = arith.cmpf ogt, %min3A_148, %gather3A_163 : vector<16xf32>
      %add3A_169 = arith.constant 1 : i32
      %add3A_170 = vector.broadcast %add3A_169 : i32 to vector<16xi32>
      %add3A_171 = arith.addi %min3A_158, %add3A_170 : vector<16xi32>
      %select_n3A_172 = arith.select %gt3A_168, %add3A_171, %min3A_158 : vector<16xi1>, vector<16xi32>
      %select_n3A_173 = arith.select %le3A_164, %sub3A_167, %select_n3A_172 : vector<16xi1>, vector<16xi32>
      %mul3A_174 = arith.constant 16 : i32
      %mul3A_175 = arith.muli %scan3A_132, %mul3A_174 : i32
      %get3A_176 = arith.index_cast %mul3A_175 : i32 to index
      %get3A_177 = tpu.vector_load %arg7[%get3A_176] {strides = array<i32>} : memref<16384xf32, #tpu.memory_space<vmem>>, vector<16xf32>,
      %add3A_178 = arith.constant 1.000000e+00 : f32
      %add3A_179 = vector.broadcast %add3A_178 : f32 to vector<16xf32>
      %add3A_180 = arith.addf %get3A_177, %add3A_179 : vector<16xf32>
      %mul3A_181 = arith.constant 5.000000e-01 : f32
      %mul3A_182 = vector.broadcast %mul3A_181 : f32 to vector<16xf32>
      %mul3A_183 = arith.mulf %add3A_180, %mul3A_182 : vector<16xf32>
      %jit3A_184 = arith.constant 1.000000e-03 : f32
      %jit3A_185 = arith.constant 9.990000e-01 : f32
      %max3A_186 = vector.broadcast %jit3A_184 : f32 to vector<16xf32>
      %max3A_187 = arith.maximumf %max3A_186, %mul3A_183 : vector<16xf32>
      %min3A_188 = vector.broadcast %jit3A_185 : f32 to vector<16xf32>
      %min3A_189 = arith.minimumf %min3A_188, %max3A_187 : vector<16xf32>
      %mul3A_190 = arith.constant 2.400000e+01 : f32
      %mul3A_191 = vector.broadcast %mul3A_190 : f32 to vector<16xf32>
      %mul3A_192 = arith.mulf %min3A_189, %mul3A_191 : vector<16xf32>
      %convert_element_type3A_193 = arith.fptosi %mul3A_192 : vector<16xf32> to vector<16xi32>
      %jit3A_194 = arith.constant 0 : i32
      %jit3A_195 = arith.constant 23 : i32
      %max3A_196 = vector.broadcast %jit3A_194 : i32 to vector<16xi32>
      %max3A_197 = arith.maxsi %max3A_196, %convert_element_type3A_193 : vector<16xi32>
      %min3A_198 = vector.broadcast %jit3A_195 : i32 to vector<16xi32>
      %min3A_199 = arith.minsi %min3A_198, %max3A_197 : vector<16xi32>
      %gather3A_200 = tpu.vector_load_idx %arg8[%min3A_199] : memref<32xf32, #tpu.memory_space<vmem>>[vector<16xi32>], vector<16xf32>,
      %add3A_201 = arith.constant 1 : i32
      %add3A_202 = vector.broadcast %add3A_201 : i32 to vector<16xi32>
      %add3A_203 = arith.addi %min3A_199, %add3A_202 : vector<16xi32>
      %gather3A_204 = tpu.vector_load_idx %arg8[%add3A_203] : memref<32xf32, #tpu.memory_space<vmem>>[vector<16xi32>], vector<16xf32>,
      %le3A_205 = arith.cmpf ole, %min3A_189, %gather3A_200 : vector<16xf32>
      %sub3A_206 = arith.constant 1 : i32
      %sub3A_207 = vector.broadcast %sub3A_206 : i32 to vector<16xi32>
      %sub3A_208 = arith.subi %min3A_199, %sub3A_207 : vector<16xi32>
      %gt3A_209 = arith.cmpf ogt, %min3A_189, %gather3A_204 : vector<16xf32>
      %add3A_210 = arith.constant 1 : i32
      %add3A_211 = vector.broadcast %add3A_210 : i32 to vector<16xi32>
      %add3A_212 = arith.addi %min3A_199, %add3A_211 : vector<16xi32>
      %select_n3A_213 = arith.select %gt3A_209, %add3A_212, %min3A_199 : vector<16xi1>, vector<16xi32>
      %select_n3A_214 = arith.select %le3A_205, %sub3A_208, %select_n3A_213 : vector<16xi1>, vector<16xi32>
      %mul3A_215 = arith.constant 24 : i32
      %mul3A_216 = vector.broadcast %mul3A_215 : i32 to vector<16xi32>
      %mul3A_217 = arith.muli %select_n3A_173, %mul3A_216 : vector<16xi32>
      %add3A_218 = arith.addi %mul3A_217, %select_n3A_214 : vector<16xi32>
      %mul3A_219 = arith.constant 16 : i32
      %mul3A_220 = vector.broadcast %mul3A_219 : i32 to vector<16xi32>
      %mul3A_221 = arith.muli %add3A_218, %mul3A_220 : vector<16xi32>
      %add3A_222 = arith.addi %mul3A_221, %iota3A : vector<16xi32>
      tpu.vector_store_idx %arg9[%add3A_222], %broadcast_in_dim3A_10 {add = true} : memref<9216xf32, #tpu.memory_space<vmem>>[vector<16xi32>], vector<16xf32>,
      %scan3A_223 = arith.constant 2 : i32
      %scan3A_224 = arith.addi %scan3A_47, %scan3A_223 : i32
      %mul3A_225 = arith.constant 16 : i32
      %mul3A_226 = arith.muli %scan3A_224, %mul3A_225 : i32
      %get3A_227 = arith.index_cast %mul3A_226 : i32 to index
      %get3A_228 = tpu.vector_load %arg6[%get3A_227] {strides = array<i32>} : memref<16384xf32, #tpu.memory_space<vmem>>, vector<16xf32>,
      %add3A_229 = arith.constant 1.000000e+00 : f32
      %add3A_230 = vector.broadcast %add3A_229 : f32 to vector<16xf32>
      %add3A_231 = arith.addf %get3A_228, %add3A_230 : vector<16xf32>
      %mul3A_232 = arith.constant 5.000000e-01 : f32
      %mul3A_233 = vector.broadcast %mul3A_232 : f32 to vector<16xf32>
      %mul3A_234 = arith.mulf %add3A_231, %mul3A_233 : vector<16xf32>
      %jit3A_235 = arith.constant 1.000000e-03 : f32
      %jit3A_236 = arith.constant 9.990000e-01 : f32
      %max3A_237 = vector.broadcast %jit3A_235 : f32 to vector<16xf32>
      %max3A_238 = arith.maximumf %max3A_237, %mul3A_234 : vector<16xf32>
      %min3A_239 = vector.broadcast %jit3A_236 : f32 to vector<16xf32>
      %min3A_240 = arith.minimumf %min3A_239, %max3A_238 : vector<16xf32>
      %mul3A_241 = arith.constant 2.400000e+01 : f32
      %mul3A_242 = vector.broadcast %mul3A_241 : f32 to vector<16xf32>
      %mul3A_243 = arith.mulf %min3A_240, %mul3A_242 : vector<16xf32>
      %convert_element_type3A_244 = arith.fptosi %mul3A_243 : vector<16xf32> to vector<16xi32>
      %jit3A_245 = arith.constant 0 : i32
      %jit3A_246 = arith.constant 23 : i32
      %max3A_247 = vector.broadcast %jit3A_245 : i32 to vector<16xi32>
      %max3A_248 = arith.maxsi %max3A_247, %convert_element_type3A_244 : vector<16xi32>
      %min3A_249 = vector.broadcast %jit3A_246 : i32 to vector<16xi32>
      %min3A_250 = arith.minsi %min3A_249, %max3A_248 : vector<16xi32>
      %gather3A_251 = tpu.vector_load_idx %arg8[%min3A_250] : memref<32xf32, #tpu.memory_space<vmem>>[vector<16xi32>], vector<16xf32>,
      %add3A_252 = arith.constant 1 : i32
      %add3A_253 = vector.broadcast %add3A_252 : i32 to vector<16xi32>
      %add3A_254 = arith.addi %min3A_250, %add3A_253 : vector<16xi32>
      %gather3A_255 = tpu.vector_load_idx %arg8[%add3A_254] : memref<32xf32, #tpu.memory_space<vmem>>[vector<16xi32>], vector<16xf32>,
      %le3A_256 = arith.cmpf ole, %min3A_240, %gather3A_251 : vector<16xf32>
      %sub3A_257 = arith.constant 1 : i32
      %sub3A_258 = vector.broadcast %sub3A_257 : i32 to vector<16xi32>
      %sub3A_259 = arith.subi %min3A_250, %sub3A_258 : vector<16xi32>
      %gt3A_260 = arith.cmpf ogt, %min3A_240, %gather3A_255 : vector<16xf32>
      %add3A_261 = arith.constant 1 : i32
      %add3A_262 = vector.broadcast %add3A_261 : i32 to vector<16xi32>
      %add3A_263 = arith.addi %min3A_250, %add3A_262 : vector<16xi32>
      %select_n3A_264 = arith.select %gt3A_260, %add3A_263, %min3A_250 : vector<16xi1>, vector<16xi32>
      %select_n3A_265 = arith.select %le3A_256, %sub3A_259, %select_n3A_264 : vector<16xi1>, vector<16xi32>
      %mul3A_266 = arith.constant 16 : i32
      %mul3A_267 = arith.muli %scan3A_224, %mul3A_266 : i32
      %get3A_268 = arith.index_cast %mul3A_267 : i32 to index
      %get3A_269 = tpu.vector_load %arg7[%get3A_268] {strides = array<i32>} : memref<16384xf32, #tpu.memory_space<vmem>>, vector<16xf32>,
      %add3A_270 = arith.constant 1.000000e+00 : f32
      %add3A_271 = vector.broadcast %add3A_270 : f32 to vector<16xf32>
      %add3A_272 = arith.addf %get3A_269, %add3A_271 : vector<16xf32>
      %mul3A_273 = arith.constant 5.000000e-01 : f32
      %mul3A_274 = vector.broadcast %mul3A_273 : f32 to vector<16xf32>
      %mul3A_275 = arith.mulf %add3A_272, %mul3A_274 : vector<16xf32>
      %jit3A_276 = arith.constant 1.000000e-03 : f32
      %jit3A_277 = arith.constant 9.990000e-01 : f32
      %max3A_278 = vector.broadcast %jit3A_276 : f32 to vector<16xf32>
      %max3A_279 = arith.maximumf %max3A_278, %mul3A_275 : vector<16xf32>
      %min3A_280 = vector.broadcast %jit3A_277 : f32 to vector<16xf32>
      %min3A_281 = arith.minimumf %min3A_280, %max3A_279 : vector<16xf32>
      %mul3A_282 = arith.constant 2.400000e+01 : f32
      %mul3A_283 = vector.broadcast %mul3A_282 : f32 to vector<16xf32>
      %mul3A_284 = arith.mulf %min3A_281, %mul3A_283 : vector<16xf32>
      %convert_element_type3A_285 = arith.fptosi %mul3A_284 : vector<16xf32> to vector<16xi32>
      %jit3A_286 = arith.constant 0 : i32
      %jit3A_287 = arith.constant 23 : i32
      %max3A_288 = vector.broadcast %jit3A_286 : i32 to vector<16xi32>
      %max3A_289 = arith.maxsi %max3A_288, %convert_element_type3A_285 : vector<16xi32>
      %min3A_290 = vector.broadcast %jit3A_287 : i32 to vector<16xi32>
      %min3A_291 = arith.minsi %min3A_290, %max3A_289 : vector<16xi32>
      %gather3A_292 = tpu.vector_load_idx %arg8[%min3A_291] : memref<32xf32, #tpu.memory_space<vmem>>[vector<16xi32>], vector<16xf32>,
      %add3A_293 = arith.constant 1 : i32
      %add3A_294 = vector.broadcast %add3A_293 : i32 to vector<16xi32>
      %add3A_295 = arith.addi %min3A_291, %add3A_294 : vector<16xi32>
      %gather3A_296 = tpu.vector_load_idx %arg8[%add3A_295] : memref<32xf32, #tpu.memory_space<vmem>>[vector<16xi32>], vector<16xf32>,
      %le3A_297 = arith.cmpf ole, %min3A_281, %gather3A_292 : vector<16xf32>
      %sub3A_298 = arith.constant 1 : i32
      %sub3A_299 = vector.broadcast %sub3A_298 : i32 to vector<16xi32>
      %sub3A_300 = arith.subi %min3A_291, %sub3A_299 : vector<16xi32>
      %gt3A_301 = arith.cmpf ogt, %min3A_281, %gather3A_296 : vector<16xf32>
      %add3A_302 = arith.constant 1 : i32
      %add3A_303 = vector.broadcast %add3A_302 : i32 to vector<16xi32>
      %add3A_304 = arith.addi %min3A_291, %add3A_303 : vector<16xi32>
      %select_n3A_305 = arith.select %gt3A_301, %add3A_304, %min3A_291 : vector<16xi1>, vector<16xi32>
      %select_n3A_306 = arith.select %le3A_297, %sub3A_300, %select_n3A_305 : vector<16xi1>, vector<16xi32>
      %mul3A_307 = arith.constant 24 : i32
      %mul3A_308 = vector.broadcast %mul3A_307 : i32 to vector<16xi32>
      %mul3A_309 = arith.muli %select_n3A_265, %mul3A_308 : vector<16xi32>
      %add3A_310 = arith.addi %mul3A_309, %select_n3A_306 : vector<16xi32>
      %mul3A_311 = arith.constant 16 : i32
      %mul3A_312 = vector.broadcast %mul3A_311 : i32 to vector<16xi32>
      %mul3A_313 = arith.muli %add3A_310, %mul3A_312 : vector<16xi32>
      %add3A_314 = arith.addi %mul3A_313, %iota3A : vector<16xi32>
      tpu.vector_store_idx %arg9[%add3A_314], %broadcast_in_dim3A_10 {add = true} : memref<9216xf32, #tpu.memory_space<vmem>>[vector<16xi32>], vector<16xf32>,
      %scan3A_315 = arith.constant 3 : i32
      %scan3A_316 = arith.addi %scan3A_47, %scan3A_315 : i32
      %mul3A_317 = arith.constant 16 : i32
      %mul3A_318 = arith.muli %scan3A_316, %mul3A_317 : i32
      %get3A_319 = arith.index_cast %mul3A_318 : i32 to index
      %get3A_320 = tpu.vector_load %arg6[%get3A_319] {strides = array<i32>} : memref<16384xf32, #tpu.memory_space<vmem>>, vector<16xf32>,
      %add3A_321 = arith.constant 1.000000e+00 : f32
      %add3A_322 = vector.broadcast %add3A_321 : f32 to vector<16xf32>
      %add3A_323 = arith.addf %get3A_320, %add3A_322 : vector<16xf32>
      %mul3A_324 = arith.constant 5.000000e-01 : f32
      %mul3A_325 = vector.broadcast %mul3A_324 : f32 to vector<16xf32>
      %mul3A_326 = arith.mulf %add3A_323, %mul3A_325 : vector<16xf32>
      %jit3A_327 = arith.constant 1.000000e-03 : f32
      %jit3A_328 = arith.constant 9.990000e-01 : f32
      %max3A_329 = vector.broadcast %jit3A_327 : f32 to vector<16xf32>
      %max3A_330 = arith.maximumf %max3A_329, %mul3A_326 : vector<16xf32>
      %min3A_331 = vector.broadcast %jit3A_328 : f32 to vector<16xf32>
      %min3A_332 = arith.minimumf %min3A_331, %max3A_330 : vector<16xf32>
      %mul3A_333 = arith.constant 2.400000e+01 : f32
      %mul3A_334 = vector.broadcast %mul3A_333 : f32 to vector<16xf32>
      %mul3A_335 = arith.mulf %min3A_332, %mul3A_334 : vector<16xf32>
      %convert_element_type3A_336 = arith.fptosi %mul3A_335 : vector<16xf32> to vector<16xi32>
      %jit3A_337 = arith.constant 0 : i32
      %jit3A_338 = arith.constant 23 : i32
      %max3A_339 = vector.broadcast %jit3A_337 : i32 to vector<16xi32>
      %max3A_340 = arith.maxsi %max3A_339, %convert_element_type3A_336 : vector<16xi32>
      %min3A_341 = vector.broadcast %jit3A_338 : i32 to vector<16xi32>
      %min3A_342 = arith.minsi %min3A_341, %max3A_340 : vector<16xi32>
      %gather3A_343 = tpu.vector_load_idx %arg8[%min3A_342] : memref<32xf32, #tpu.memory_space<vmem>>[vector<16xi32>], vector<16xf32>,
      %add3A_344 = arith.constant 1 : i32
      %add3A_345 = vector.broadcast %add3A_344 : i32 to vector<16xi32>
      %add3A_346 = arith.addi %min3A_342, %add3A_345 : vector<16xi32>
      %gather3A_347 = tpu.vector_load_idx %arg8[%add3A_346] : memref<32xf32, #tpu.memory_space<vmem>>[vector<16xi32>], vector<16xf32>,
      %le3A_348 = arith.cmpf ole, %min3A_332, %gather3A_343 : vector<16xf32>
      %sub3A_349 = arith.constant 1 : i32
      %sub3A_350 = vector.broadcast %sub3A_349 : i32 to vector<16xi32>
      %sub3A_351 = arith.subi %min3A_342, %sub3A_350 : vector<16xi32>
      %gt3A_352 = arith.cmpf ogt, %min3A_332, %gather3A_347 : vector<16xf32>
      %add3A_353 = arith.constant 1 : i32
      %add3A_354 = vector.broadcast %add3A_353 : i32 to vector<16xi32>
      %add3A_355 = arith.addi %min3A_342, %add3A_354 : vector<16xi32>
      %select_n3A_356 = arith.select %gt3A_352, %add3A_355, %min3A_342 : vector<16xi1>, vector<16xi32>
      %select_n3A_357 = arith.select %le3A_348, %sub3A_351, %select_n3A_356 : vector<16xi1>, vector<16xi32>
      %mul3A_358 = arith.constant 16 : i32
      %mul3A_359 = arith.muli %scan3A_316, %mul3A_358 : i32
      %get3A_360 = arith.index_cast %mul3A_359 : i32 to index
      %get3A_361 = tpu.vector_load %arg7[%get3A_360] {strides = array<i32>} : memref<16384xf32, #tpu.memory_space<vmem>>, vector<16xf32>,
      %add3A_362 = arith.constant 1.000000e+00 : f32
      %add3A_363 = vector.broadcast %add3A_362 : f32 to vector<16xf32>
      %add3A_364 = arith.addf %get3A_361, %add3A_363 : vector<16xf32>
      %mul3A_365 = arith.constant 5.000000e-01 : f32
      %mul3A_366 = vector.broadcast %mul3A_365 : f32 to vector<16xf32>
      %mul3A_367 = arith.mulf %add3A_364, %mul3A_366 : vector<16xf32>
      %jit3A_368 = arith.constant 1.000000e-03 : f32
      %jit3A_369 = arith.constant 9.990000e-01 : f32
      %max3A_370 = vector.broadcast %jit3A_368 : f32 to vector<16xf32>
      %max3A_371 = arith.maximumf %max3A_370, %mul3A_367 : vector<16xf32>
      %min3A_372 = vector.broadcast %jit3A_369 : f32 to vector<16xf32>
      %min3A_373 = arith.minimumf %min3A_372, %max3A_371 : vector<16xf32>
      %mul3A_374 = arith.constant 2.400000e+01 : f32
      %mul3A_375 = vector.broadcast %mul3A_374 : f32 to vector<16xf32>
      %mul3A_376 = arith.mulf %min3A_373, %mul3A_375 : vector<16xf32>
      %convert_element_type3A_377 = arith.fptosi %mul3A_376 : vector<16xf32> to vector<16xi32>
      %jit3A_378 = arith.constant 0 : i32
      %jit3A_379 = arith.constant 23 : i32
      %max3A_380 = vector.broadcast %jit3A_378 : i32 to vector<16xi32>
      %max3A_381 = arith.maxsi %max3A_380, %convert_element_type3A_377 : vector<16xi32>
      %min3A_382 = vector.broadcast %jit3A_379 : i32 to vector<16xi32>
      %min3A_383 = arith.minsi %min3A_382, %max3A_381 : vector<16xi32>
      %gather3A_384 = tpu.vector_load_idx %arg8[%min3A_383] : memref<32xf32, #tpu.memory_space<vmem>>[vector<16xi32>], vector<16xf32>,
      %add3A_385 = arith.constant 1 : i32
      %add3A_386 = vector.broadcast %add3A_385 : i32 to vector<16xi32>
      %add3A_387 = arith.addi %min3A_383, %add3A_386 : vector<16xi32>
      %gather3A_388 = tpu.vector_load_idx %arg8[%add3A_387] : memref<32xf32, #tpu.memory_space<vmem>>[vector<16xi32>], vector<16xf32>,
      %le3A_389 = arith.cmpf ole, %min3A_373, %gather3A_384 : vector<16xf32>
      %sub3A_390 = arith.constant 1 : i32
      %sub3A_391 = vector.broadcast %sub3A_390 : i32 to vector<16xi32>
      %sub3A_392 = arith.subi %min3A_383, %sub3A_391 : vector<16xi32>
      %gt3A_393 = arith.cmpf ogt, %min3A_373, %gather3A_388 : vector<16xf32>
      %add3A_394 = arith.constant 1 : i32
      %add3A_395 = vector.broadcast %add3A_394 : i32 to vector<16xi32>
      %add3A_396 = arith.addi %min3A_383, %add3A_395 : vector<16xi32>
      %select_n3A_397 = arith.select %gt3A_393, %add3A_396, %min3A_383 : vector<16xi1>, vector<16xi32>
      %select_n3A_398 = arith.select %le3A_389, %sub3A_392, %select_n3A_397 : vector<16xi1>, vector<16xi32>
      %mul3A_399 = arith.constant 24 : i32
      %mul3A_400 = vector.broadcast %mul3A_399 : i32 to vector<16xi32>
      %mul3A_401 = arith.muli %select_n3A_357, %mul3A_400 : vector<16xi32>
      %add3A_402 = arith.addi %mul3A_401, %select_n3A_398 : vector<16xi32>
      %mul3A_403 = arith.constant 16 : i32
      %mul3A_404 = vector.broadcast %mul3A_403 : i32 to vector<16xi32>
      %mul3A_405 = arith.muli %add3A_402, %mul3A_404 : vector<16xi32>
      %add3A_406 = arith.addi %mul3A_405, %iota3A : vector<16xi32>
      tpu.vector_store_idx %arg9[%add3A_406], %broadcast_in_dim3A_10 {add = true} : memref<9216xf32, #tpu.memory_space<vmem>>[vector<16xi32>], vector<16xf32>,
    }
    %scan3A_16 = arith.constant 1024 : i32
    %jit3A = arith.constant 4 : i32
    %div3A = arith.divsi %add3A, %jit3A : i32
    %sign3A = arith.constant 0 : i32
    %sign3A_17 = arith.cmpi sgt, %add3A, %sign3A : i32
    %sign3A_18 = arith.extui %sign3A_17 : i1 to i32
    %sign3A_19 = arith.constant 0 : i32
    %sign3A_20 = arith.cmpi slt, %add3A, %sign3A_19 : i32
    %sign3A_21 = arith.extui %sign3A_20 : i1 to i32
    %sign3A_22 = arith.subi %sign3A_18, %sign3A_21 : i32
    %sign3A_23 = arith.constant 0 : i32
    %sign3A_24 = arith.cmpi sgt, %jit3A, %sign3A_23 : i32
    %sign3A_25 = arith.extui %sign3A_24 : i1 to i32
    %sign3A_26 = arith.constant 0 : i32
    %sign3A_27 = arith.cmpi slt, %jit3A, %sign3A_26 : i32
    %sign3A_28 = arith.extui %sign3A_27 : i1 to i32
    %sign3A_29 = arith.subi %sign3A_25, %sign3A_28 : i32
    %ne3A = arith.cmpi ne, %sign3A_22, %sign3A_29 : i32
    %rem3A = arith.remsi %add3A, %jit3A : i32
    %ne3A_30 = arith.constant 0 : i32
    %ne3A_31 = arith.cmpi ne, %rem3A, %ne3A_30 : i32
    %and3A = arith.andi %ne3A, %ne3A_31 : i1
    %sub3A = arith.constant 1 : i32
    %sub3A_32 = arith.subi %div3A, %sub3A : i32
    %select_n3A = arith.select %and3A, %sub3A_32, %div3A : i32
    %jit3A_33 = arith.constant 4 : i32
    %eq3A = arith.constant 0 : i32
    %eq3A_34 = arith.cmpi eq, %jit3A_33, %eq3A : i32
    %jit3A_35 = arith.constant 1 : i32
    %select_n3A_36 = arith.select %eq3A_34, %jit3A_35, %jit3A_33 : i32
    %rem3A_37 = arith.remsi %add3A, %select_n3A_36 : i32
    %ne3A_38 = arith.constant 0 : i32
    %ne3A_39 = arith.cmpi ne, %rem3A_37, %ne3A_38 : i32
    %lt3A = arith.constant 0 : i32
    %lt3A_40 = arith.cmpi slt, %rem3A_37, %lt3A : i32
    %lt3A_41 = arith.constant 0 : i32
    %lt3A_42 = arith.cmpi slt, %select_n3A_36, %lt3A_41 : i32
    %ne3A_43 = arith.xori %lt3A_40, %lt3A_42 : i1
    %and3A_44 = arith.andi %ne3A_43, %ne3A_39 : i1
    %add3A_45 = arith.addi %rem3A_37, %select_n3A_36 : i32
    %select_n3A_46 = arith.select %and3A_44, %add3A_45, %rem3A_37 : i32
    "tpu.region"() ({
      %run_scoped3A = tpu.sem_alloc : memref<!tpu.dma_semaphore, #tpu.memory_space<semaphore_mem>>
      %dma_start3A = arith.constant 0 : i32
      %dma_start3A_47 = tpu.memref_slice %arg5[%select_n3A, %select_n3A_46, %dma_start3A] : memref<8x4x9216xf32, #tpu.memory_space<hbm>> -> memref<1x1x9216xf32, #tpu.memory_space<hbm>>
      %dma_start3A_48 = tpu.memref_squeeze %dma_start3A_47 : memref<1x1x9216xf32, #tpu.memory_space<hbm>> -> memref<9216xf32, #tpu.memory_space<hbm>>
      %dma_start3A_49 = arith.constant 0 : i32
      %dma_start3A_50 = tpu.memref_slice %arg5[%select_n3A, %select_n3A_46, %dma_start3A_49] : memref<8x4x9216xf32, #tpu.memory_space<hbm>> -> memref<1x1x9216xf32, #tpu.memory_space<hbm>>
      %dma_start3A_51 = tpu.memref_squeeze %dma_start3A_50 : memref<1x1x9216xf32, #tpu.memory_space<hbm>> -> memref<9216xf32, #tpu.memory_space<hbm>>
      tpu.enqueue_dma source(%arg9 : memref<9216xf32, #tpu.memory_space<vmem>>) target(%dma_start3A_51 : memref<9216xf32, #tpu.memory_space<hbm>>) target_semaphore(%run_scoped3A : memref<!tpu.dma_semaphore, #tpu.memory_space<semaphore_mem>>)
      %dma_wait3A = arith.constant 0 : i32
      %dma_wait3A_52 = tpu.memref_slice %arg5[%select_n3A, %select_n3A_46, %dma_wait3A] : memref<8x4x9216xf32, #tpu.memory_space<hbm>> -> memref<1x1x9216xf32, #tpu.memory_space<hbm>>
      %dma_wait3A_53 = tpu.memref_squeeze %dma_wait3A_52 : memref<1x1x9216xf32, #tpu.memory_space<hbm>> -> memref<9216xf32, #tpu.memory_space<hbm>>
      %dma_wait3A_54 = arith.constant 0 : i32
      %dma_wait3A_55 = tpu.memref_slice %arg5[%select_n3A, %select_n3A_46, %dma_wait3A_54] : memref<8x4x9216xf32, #tpu.memory_space<hbm>> -> memref<1x1x9216xf32, #tpu.memory_space<hbm>>
      %dma_wait3A_56 = tpu.memref_squeeze %dma_wait3A_55 : memref<1x1x9216xf32, #tpu.memory_space<hbm>> -> memref<9216xf32, #tpu.memory_space<hbm>>
      tpu.wait_dma2 semaphore(%run_scoped3A : memref<!tpu.dma_semaphore, #tpu.memory_space<semaphore_mem>>) src(%arg9 : memref<9216xf32, #tpu.memory_space<vmem>>) dst(%dma_wait3A_56 : memref<9216xf32, #tpu.memory_space<hbm>>)
      tpu.yield
    }) : () -> ()
    return
  }
}

</mosaic_0001>

<sc_bundles>
// kernel: kernel.5.cloned.1.call-start
scs
__scs_entry_jumppad:
0x0: {  	(pc) =	sbr.rel $0x88, $3  }
0x1: {  	(tag) =	ssettag $0x0;
	lr =	simm.s32 $0x1  }
0x2: {  	[smem:$0x3F9F] =	sst lr;
	_ =	strace $0xD0000000  }
0x3: {  	_ = 	snop  }
0x4: {  	_ = 	snop  }
0x5: {  	_ = 	snop  }
0x6: {  	_ = 	snop  }
0x7: {  	_ = 	snop  }
__scs_overlays_trampoline_lowered:
0x8: {  	[smem:$0x3FAE] =	sst s0  }
0x9: {  	[smem:$0x3FAF] =	sst s1  }
0xa: {  	[smem:$0x3FB0] =	sst s2  }
0xb: {  	[smem:$0x3FB1] =	sst s3  }
0xc: {  	[smem:$0x3FB2] =	sst s4  }
0xd: {  	[smem:$0x3FB3] =	sst s5  }
0xe: {  	[smem:$0x3FB4] =	sst s6  }
0xf: {  	[smem:$0x3FB5] =	sst s7  }
0x10: {  	[smem:$0x3FB6] =	sst s8  }
0x11: {  	[smem:$0x3FB7] =	sst s9;
	s0 =	simm.s32 @!p0 $0x0  }
0x12: {  	s1 =	sld [smem:$0x3F9D];
	s0 =	simm.s32 @p0 $0x1  }
0x13: {  	[smem:$0x3FB8] =	sst s0;
	s0 =	simm.s32 @!p1 $0x0  }
0x14: {  	s2 =	sld [smem:$0x3F9C];
	s0 =	simm.s32 @p1 $0x1  }
0x15: {  	[smem:$0x3FB9] =	sst s0;
	s0 =	simm.s32 @!p2 $0x0  }
0x16: {  	s3 =	sld [smem:$0x3FDB];
	s0 =	simm.s32 @p2 $0x1  }
0x17: {  	s4 =	simm.s32 $0x1BF5;
	[smem:$0x3FBB] =	sst s0  }
0x18: {  	s0 =	sld [smem:$0x3F9E];
	_ =	swait.ge [sflag:s4], $0x0  }
0x19: {  	s7 =	sld [smem:$0x3F9F]  }
0x1a: {  	s8 =	sadd.s32 $0xFFFFE003, lr  }
0x1b: {  	s9 =	sadd.s32 $0xFFFFFEF7, lr;
	s5 =	simm.s32 $0xFFFFFFFF;
	p2 =	slt.u32 s8, $0xFFFFF086  }
0x1c: {  	p1 =	slt.u32 s9, $0xF7A;
	s5 =	simm.s32 @!p2 $0x0  }
0x1d: {  	s5 =	simm.s32 @p1 $0x1;
	p0 =	seq.s32 s7, s2  }
0x1e: {  	s7 =	smul.u32 @!p0 $0xF7A, s2;
	p2 =	seq.s32 @!p0 s5, $0x0  }
0x1f: {  	s9 =	smul.u32 $0xF7A, s1;
	s8 =	simm.s32 @!p0 $0x1BF5;
	p2 =	por !p2, p0  }
0x20: {  	[sflag:s8] =	ssyncset.s32 @!p0 $0xFFFFF086;
	s6 =	sadd.s32 @!p0 s3, s7;
	s7 =	simm.s32 @!p0 $0x108  }
0x21: {  	s3 =	sadd.s32 s3, s9;
	s6 =	sadd.s32 @!p0 $0x88, s6;
	s7 =	simm.s32 @p2 $0x1082  }
0x22: {  	[simem:s7], [sflag:s8] =	dma.local @!p0 [hbm:s6], $0xF7A  }
0x23: {  	s9 =	sor.u32 $0xD0000000, s2;
	s6 =	simm.s32 $0x108;
	_ =	swait.ge @!p0 [sflag:s8], $0x0  }
0x24: {  	s3 =	sadd.s32 $0x88, s3;
	s6 =	simm.s32 @!p1 $0x1082;
	[sflag:s4] =	ssyncset.s32 $0xFFFFF086  }
0x25: {  	[simem:s6], [sflag:s4] =	dma.local [hbm:s3], $0xF7A  }
0x26: {  	[smem:$0x3F9F] =	sst s1;
	(tag) =	ssettag s2;
	_ =	strace s9  }
0x27: {  	s1 =	sld [smem:$0x3FAF]  }
0x28: {  	s2 =	sld [smem:$0x3FB0]  }
0x29: {  	s4 =	sld [smem:$0x3FB2]  }
0x2a: {  	p0 =	seq.s32 s5, $0x0;
	s5 =	sld [smem:$0x3FB3]  }
0x2b: {  	s6 =	sld [smem:$0x3FB4]  }
0x2c: {  	s7 =	sld [smem:$0x3FB5]  }
0x2d: {  	s3 =	simm.s32 $0x108;
	s8 =	sld [smem:$0x3FB6]  }
0x2e: {  	s3 =	simm.s32 @!p0 $0x1082;
	s9 =	sld [smem:$0x3FB7]  }
0x2f: {  	lr =	sadd.s32 s0, s3;
	s0 =	sld [smem:$0x3FAE]  }
0x30: {  	s3 =	sld [smem:$0x3FB1]  }
0x31: {  	[smem:$0x3FBA] =	sst s10  }
0x32: {  	s10 =	sld [smem:$0x3FB8];
	_ =	sdelay $0x3  }
0x33: {  	p0 =	seq.s32 s10, $0x1;
	s10 =	sld [smem:$0x3FBA];
	_ =	sdelay $0x3  }
0x34: {  	[smem:$0x3FBA] =	sst s10  }
0x35: {  	s10 =	sld [smem:$0x3FB9];
	_ =	sdelay $0x3  }
0x36: {  	p1 =	seq.s32 s10, $0x1;
	s10 =	sld [smem:$0x3FBA];
	_ =	sdelay $0x3  }
0x37: {  	[smem:$0x3FBA] =	sst s10  }
0x38: {  	s10 =	sld [smem:$0x3FBB]  }
0x39: {  	_ = 	snop;
	(pc) =	sbr.ind lr, $3  }
0x3a: {  	_ = 	snop  }
0x3b: {  	_ = 	snop  }
0x3c: {  	p2 =	seq.s32 s10, $0x1;
	s10 =	sld [smem:$0x3FBA]  }
0x3d: {  	_ =	shalt  }
0x3e: {  	_ =	shalt  }
0x3f: {  	_ =	shalt  }
0x40: {  	_ =	shalt  }
0x41: {  	_ =	shalt  }
0x42: {  	_ =	shalt  }
0x43: {  	_ =	shalt  }
0x44: {  	_ =	shalt  }
0x45: {  	_ =	shalt  }
0x46: {  	_ =	shalt  }
0x47: {  	_ =	shalt  }
0x48: {  	_ =	shalt  }
0x49: {  	_ =	shalt  }
0x4a: {  	_ =	shalt  }
0x4b: {  	_ =	shalt  }
0x4c: {  	_ =	shalt  }
0x4d: {  	_ =	shalt  }
0x4e: {  	_ =	shalt  }
0x4f: {  	_ =	shalt  }
0x50: {  	_ =	shalt  }
0x51: {  	_ =	shalt  }
0x52: {  	_ =	shalt  }
0x53: {  	_ =	shalt  }
0x54: {  	_ =	shalt  }
0x55: {  	_ =	shalt  }
0x56: {  	_ =	shalt  }
0x57: {  	_ =	shalt  }
0x58: {  	_ =	shalt  }
0x59: {  	_ =	shalt  }
0x5a: {  	_ =	shalt  }
0x5b: {  	_ =	shalt  }
0x5c: {  	_ =	shalt  }
0x5d: {  	_ =	shalt  }
0x5e: {  	_ =	shalt  }
0x5f: {  	_ =	shalt  }
0x60: {  	_ =	shalt  }
0x61: {  	_ =	shalt  }
0x62: {  	_ =	shalt  }
0x63: {  	_ =	shalt  }
0x64: {  	_ =	shalt  }
0x65: {  	_ =	shalt  }
0x66: {  	_ =	shalt  }
0x67: {  	_ =	shalt  }
0x68: {  	_ =	shalt  }
0x69: {  	_ =	shalt  }
0x6a: {  	_ =	shalt  }
0x6b: {  	_ =	shalt  }
0x6c: {  	_ =	shalt  }
0x6d: {  	_ =	shalt  }
0x6e: {  	_ =	shalt  }
0x6f: {  	_ =	shalt  }
0x70: {  	_ =	shalt  }
0x71: {  	_ =	shalt  }
0x72: {  	_ =	shalt  }
0x73: {  	_ =	shalt  }
0x74: {  	_ =	shalt  }
0x75: {  	_ =	shalt  }
0x76: {  	_ =	shalt  }
0x77: {  	_ =	shalt  }
0x78: {  	_ =	shalt  }
0x79: {  	_ =	shalt  }
0x7a: {  	_ =	shalt  }
0x7b: {  	_ =	shalt  }
0x7c: {  	_ =	shalt  }
0x7d: {  	_ =	shalt  }
0x7e: {  	_ =	shalt  }
0x7f: {  	_ =	shalt  }
0x80: {  	_ =	shalt  }
0x81: {  	_ =	shalt  }
0x82: {  	_ =	shalt  }
0x83: {  	_ =	shalt  }
0x84: {  	_ =	shalt  }
0x85: {  	_ =	shalt  }
0x86: {  	_ =	shalt  }
0x87: {  	_ =	shalt  }
.Lfunc_end0:
.L_simem_size_0:
called_computation_lowered:
.L_overlay_start_0:
0x88: {  	s2 =	sld [smem:$0x3FD9]  }
0x89: {  	s3 =	sld [smem:$0x3FFE];
	_ =	sdelay $0x1  }
0x8a: {  	s1 =	srdreg.scid  }
0x8b: {  	s0 =	sand.u32 $0x1, s1  }
0x8c: {  	s17 =	sshll.u32 s0, $0xA;
	s2 =	sadd.s32 s3, s2  }
0x8d: {  	s2 =	sadd.s32 s2, s17  }
0x8e: {  	[smem:$0x3FC6] =	sst s2  }
0x8f: {  	_ = 	snop  }
0x90: {  	s2 =	sld [smem:$0x3FD0];
	(tm) =	ssettm $0x1  }
0x91: {  	s18 =	sld [smem:$0x3FFB];
	_ =	sdelay $0x3  }
0x92: {  	_ =	strace s18  }
0x93: {  	s3 =	sld [smem:$0x3FFC];
	_ =	sdelay $0x3  }
0x94: {  	_ =	strace s3  }
0x95: {  	s3 =	sld [smem:$0x3FFD];
	_ =	sdelay $0x3  }
0x96: {  	_ =	strace s3  }
0x97: {  	_ =	strace $0x8FFFFFFF  }
0x98: {  	s19 =	sld [smem:$0x3FDB];
	_ =	sdelay $0x1  }
0x99: {  	s4 =	simm.s32 $_scs_section_size  }
0x9a: {  	s5 =	simm.s32 $_size__tile_overlayer_lowered;
	s6 =	simm.s32 $_tile_overlayer_lowered  }
0x9b: {  	s22 =	simm.s32 $0x1BFF;
	s21 =	sshll.u32 s6, $0x1;
	s3 =	sadd.s32 s4, s19  }
0x9c: {  	s7 =	simm.s32 $0x0;
	s20 =	sshll.u32 s5, $0x1;
	s5 =	sadd.s32 s21, s3  }
0x9d: {  	[timem:s7], [sflag:s22] =	dma.local [hbm:s5], s20  }
0x9e: {  	_ =	swait.ge [sflag:s22], s20  }
0x9f: {  	s4 =	ssub.s32 $0x0, s20;
	[sflag:s22] =	ssyncset.done $0x0  }
0xa0: {  	[sflag:s22] =	ssyncadd.s32 s4;
	_ =	sdelay $0x1  }
0xa1: {  	s23 =	simm.s32 $0x1B8B  }
0xa2: {  	_ =	swait.ge [sflag:s23], $0x1  }
0xa3: {  	[sflag:s23] =	ssyncset.done $0x0  }
0xa4: {  	s25 =	simm.s32 $0x1B8E;
	s24 =	sld [smem:$0x3FFE];
	[sflag:s23] =	ssyncadd.s32 $0xFFFFFFFF  }
0xa5: {  	s26 =	simm.s32 $execute0_lowered;
	[smem:$0x3FD2] =	sst s25  }
0xa6: {  	s5 =	sshll.u32 s26, $0x1;
	_ =	strace $0x80000046;
	[dreg:$0x1] =	wrdreg $0xFFFFFFFF  }
0xa7: {  	s28 =	simm.s32 $_size_execute0_lowered;
	s3 =	sadd.s32 s3, s5;
	[dreg:$0x0] =	wrdreg $0x0  }
0xa8: {  	s5 =	sshll.u32 s28, $0x1;
	[dreg:$0x2] =	wrdreg s3  }
0xa9: {  	[dreg:$0x3] =	wrdreg s5  }
0xaa: {  	[dreg:$0x4] =	wrdreg $0xC0  }
0xab: {  	_ =	task [dreg:s7], $0x5FFFF  }
0xac: {  	[dreg:$0x1] =	wrdreg $0xFFFFFFFF  }
0xad: {  	[dreg:$0x0] =	wrdreg $0x60  }
0xae: {  	[dreg:$0x2] =	wrdreg s24  }
0xaf: {  	[dreg:$0x3] =	wrdreg s2  }
0xb0: {  	[dreg:$0x4] =	wrdreg $0x9  }
0xb1: {  	_ =	task.clear_ibuf [dreg:s7], $0x5FFFF;
	_ =	strace $0x90000046  }
0xb2: {  	s29 =	simm.s32 $0x9;
	_ =	strace $0x80000048  }
0xb3: {  	_ =	swait.ge [sflag:s29], $0x1  }
0xb4: {  	[sflag:s29] =	ssyncadd.s32 $0xFFFFFFFF  }
0xb5: {  	_ =	strace $0x90000048  }
0xb6: {  	_ =	sfence  }
0xb7: {  	s30 =	sld [smem:$0x0];
	_ =	sdelay $0x2  }
0xb8: {  	s31 =	sshll.u32 s1, $0xD;
	s1 =	sshrl.u32 s1, $0x2  }
0xb9: {  	s3 =	sand.u32 $0x4000, s31;
	s1 =	sadd.s32 s1, s30  }
0xba: {  	s0 =	sor.u32 s3, s0;
	s1 =	sshll.u32 s1, $0x11  }
0xbb: {  	s0 =	sor.u32 s1, s0  }
0xbc: {  	s0 =	sadd.s32 $0x8F2B, s0  }
0xbd: {  	[sflag:s0] =	ssyncadd.remote.s32 $0x1  }
0xbe: {  	_ =	sfence.sel $0xFFFF  }
0xbf: {  	[dreg:$0x0] =	wrdreg $0xFFFFFFFF;
	(pc) =	sbr.abs _section_cstart, $3  }
0xc0: {  	[dreg:$0x1] =	wrdreg $0xFFFFFFFF  }
0xc1: {  	_ =	task.clear_ibuf [dreg:s7], $0x2FFFF;
	_ =	strace $0x9FFFFFFF  }
0xc2: {  	(tm) =	ssettm $0x7FFFFFFF  }
0xc3: {  	_ =	shalt  }
tec
execute0_lowered:
.L_overlay_start_1:
0x0: {  	(tag) =	ssettag $0x1  }
0x1: {  	s4 =	rddreg [dreg:$0x0];
	s1 =	srdreg.scid  }
0x2: {  	s0 =	stileid.u32;
	s2 =	rddreg [dreg:$0x1]  }
0x3: {  	s9 =	simm.s32 $0x4000;
	s10 =	simm.s32 $0x8000;
	s11 =	simm.s32 $0x8080  }
0x4: {  	s12 =	simm.s32 $0x80;
	s13 =	simm.s32 $0x200;
	s14 =	simm.s32 $0x0  }
0x5: {  	s5 =	sand.u32 $0x1, s1;
	s3 =	sshll.u32 s0, $0x1;
	s1 =	rddreg [dreg:$0x2]  }
0x6: {  	s7 =	sshrl.u32 s0, $0x1;
	s6 =	sor.u32 s5, s3;
	s3 =	simm.s32 $0x0  }
0x7: {  	s7 =	smul.u32 $0x9000, s7;
	s5 =	ssub.s32 $0x2, s5;
	s8 =	sshll.u32 s6, $0x7  }
0x8: {  	[smem:$0x7FF] =	sst s3;
	s6 =	sshll.u32 s6, $0xB;
	s8 =	sand.u32 $0x180, s8  }
0x9: {  	s30 =	sshrl.u32 s5, $0x1;
	_ =	strace $0x80000047;
	s7 =	sor.u32 s7, s8  }
0xa: {  	s6 =	sadd.s32 s6, s4;
	s31 =	ssub.s32 s5, s30;
	s7 =	sshrl.u32 s7, $0x3  }
0xb: {  	s5 =	sadd.s32 $0x10E00, s6;
	s8 =	simm.s32 $0x1;
	s7 =	sadd.s32 s7, s4  }
0xc: {  	v0 =	vimm.f32 $0.0e+00;
	v1 =	vimm.f32 $1.000000000e+00;
	v2 =	vlaneseq.u32;
	s4 =	sadd.s32 $0xE00, s6;
	s6 =	sadd.s32 $0x20E00, s7;
	s7 =	smax.u32 s31, $0x1  }
.LBB2_1:
0xd: {  	[tilespmem:s3], [sflag:$0x1] =	stream.linear.gather [hbm4b:s4+s3], $0x4000, $0x38;
	[tilespmem:$0xA480] =	vst v63  }
0xe: {  	_ =	swait.ge [sflag:s8], $0x4000  }
0xf: {  	[sflag:s8] =	ssyncset.done $0x0  }
0x10: {  	[sflag:s8] =	ssyncadd.s32 $0xFFFFC000  }
0x11: {  	[tilespmem:s9], [sflag:$0x1] =	stream.linear.gather [hbm4b:s5+s3], $0x4000, $0x38;
	[tilespmem:$0xA480] =	vst v63  }
0x12: {  	_ =	swait.ge [sflag:s8], $0x4000  }
0x13: {  	[sflag:s8] =	ssyncset.done $0x0  }
0x14: {  	[sflag:s8] =	ssyncadd.s32 $0xFFFFC000  }
0x15: {  	[tilespmem:s10], [sflag:$0x1] =	stream.linear.gather [hbm4b:s2+s3], $0x80, $0x38;
	[tilespmem:$0xA480] =	vst v63  }
0x16: {  	_ =	swait.ge [sflag:s8], $0x80  }
0x17: {  	[sflag:s8] =	ssyncset.done $0x0  }
0x18: {  	s18 =	simm.s32 $0x80C0;
	[sflag:s8] =	ssyncadd.s32 $0xFFFFFF80  }
0x19: {  	[tilespmem:s18+$0xFFFFFFC0] =	vst v0  }
0x1a: {  	[tilespmem:s18+$0x30] =	vst v0  }
0x1b: {  	[tilespmem:s18+$0x20] =	vst v0  }
0x1c: {  	[tilespmem:s18+$0x10] =	vst v0  }
0x1d: {  	[tilespmem:s18+$0x0] =	vst v0  }
0x1e: {  	[tilespmem:s18+$0xFFFFFFF0] =	vst v0  }
0x1f: {  	s19 =	simm.s32 $0x0;
	s15 =	simm.s32 $0x4020;
	s16 =	simm.s32 $0x20;
	[tilespmem:s18+$0xFFFFFFE0] =	vst v0  }
.LBB2_2:
0x20: {  	s19 =	sadd.s32 $0x8, s19;
	[tilespmem:s18+$0xFFFFFFD0] =	vst v0;
	s18 =	sadd.s32 $0x80, s18;
	s17 =	simm.s32 $0xFFFFFFFC  }
0x21: {  	[tilespmem:s18+$0xFFFFFFC0] =	vst v0;
	p0 =	slt.u32 s19, $0x238  }
0x22: {  	[tilespmem:s18+$0x30] =	vst v0  }
.Ltmp0:
0x23: {  	[tilespmem:s18+$0x20] =	vst v0;
	(pc) =	sbr.rel @p0 .LBB2_2-.Ltmp0, $4  }
0x24: {  	[tilespmem:s18+$0x10] =	vst v0  }
0x25: {  	[tilespmem:s18+$0x0] =	vst v0  }
0x26: {  	[tilespmem:s18+$0xFFFFFFF0] =	vst v0  }
0x27: {  	[tilespmem:s18+$0xFFFFFFE0] =	vst v0  }
0x28: {  	[tilespmem:s18+$0xFFFFFFD0] =	vst v0  }
.LBB2_4:
0x29: {  	v3 =	vld [tilespmem:s16+$0xFFFFFFE0];
	_ =	sdelay $0x1  }
0x2a: {  	v4 =	vld [tilespmem:s15+$0xFFFFFFE0];
	_ =	sdelay $0x2  }
0x2b: {  	v3 =	vadd.f32 $1.000000000e+00, v3;
	_ =	sdelay $0x1  }
0x2c: {  	v4 =	vadd.f32 $1.000000000e+00, v4;
	v3 =	vmul.f32 $5.000000000e-01, v3;
	_ =	sdelay $0x1  }
0x2d: {  	v4 =	vmul.f32 $5.000000000e-01, v4;
	v3 =	vmax.f32 v3, $1.000000050e-03  }
0x2e: {  	v3 =	vmin.f32 v3, $9.990000120e-01  }
0x2f: {  	v4 =	vmax.f32 v4, $1.000000050e-03;
	v5 =	vmul.f32 $2.400000000e+01, v3  }
0x30: {  	v4 =	vmin.f32 v4, $9.990000120e-01  }
0x31: {  	v6 =	vmul.f32 $2.400000000e+01, v4;
	v5 =	vtrunc.f32 v5  }
0x32: {  	v5 =	vcvt.f32.s32 v5  }
0x33: {  	v6 =	vtrunc.f32 v6  }
0x34: {  	v6 =	vcvt.f32.s32 v6;
	vm0 =	vgt.s32 v5, $0x0  }
0x35: {  	v5 =	vnsel vm0, $0x0, v5  }
0x36: {  	vm6 =	vgt.s32 v6, $0x0;
	v5 =	vmin.u32 v5, $0x17  }
0x37: {  	v6 =	vnsel vm6, $0x0, v6;
	v7 =	vadd.s32 $0x1, v5  }
0x38: {  	v6 =	vmin.u32 v6, $0x17  }
0x39: {  	v8 =	vadd.s32 $0x1, v6;
	_ =	sdelay $0x2  }
0x3a: {  	v10 =	vld.idx.msk [tilespmem:v7+s10+$0x0], $0xffff  }
0x3b: {  	v9 =	vld.idx.msk [tilespmem:v5+s10+$0x0], $0xffff  }
0x3c: {  	v12 =	vld.idx.msk [tilespmem:v8+s10+$0x0], $0xffff  }
0x3d: {  	v11 =	vld.idx.msk [tilespmem:v6+s10+$0x0], $0xffff;
	_ =	sdelay $0x1  }
0x3e: {  	vm7 =	vgt.f32 v3, v10  }
0x3f: {  	vm1 =	vle.f32 v3, v9;
	v3 =	vadd.s32 $0xFFFFFFFF, v5;
	v5 =	vsel vm7, v7, v5  }
0x40: {  	v29 =	vadd.s32 $0xFFFFFFFF, v6;
	vm9 =	vgt.f32 v4, v12;
	v3 =	vsel vm1, v3, v5  }
0x41: {  	vm8 =	vle.f32 v4, v11;
	v30 =	vsel vm9, v8, v6;
	v3 =	vmul.u32 $0x18, v3  }
0x42: {  	v4 =	vsel vm8, v29, v30  }
0x43: {  	v3 =	vadd.s32 v3, v4  }
0x44: {  	v3 =	vshll.u32 v3, $0x4  }
0x45: {  	v3 =	vor.u32 v2, v3;
	_ =	sdelay $0x4  }
0x46: {  	[tilespmem:v3+s11+$0x0] =	vst.idx.add.f32.msk $0xffff, v1  }
0x47: {  	v3 =	vld [tilespmem:s16+$0xFFFFFFF0];
	_ =	sdelay $0x1  }
0x48: {  	v31 =	vld [tilespmem:s15+$0xFFFFFFF0];
	_ =	sdelay $0x2  }
0x49: {  	v3 =	vadd.f32 $1.000000000e+00, v3;
	_ =	sdelay $0x1  }
0x4a: {  	v4 =	vadd.f32 $1.000000000e+00, v31;
	v3 =	vmul.f32 $5.000000000e-01, v3;
	_ =	sdelay $0x1  }
0x4b: {  	v4 =	vmul.f32 $5.000000000e-01, v4;
	v3 =	vmax.f32 v3, $1.000000050e-03  }
0x4c: {  	v3 =	vmin.f32 v3, $9.990000120e-01  }
0x4d: {  	v4 =	vmax.f32 v4, $1.000000050e-03;
	v32 =	vmul.f32 $2.400000000e+01, v3  }
0x4e: {  	v4 =	vmin.f32 v4, $9.990000120e-01  }
0x4f: {  	v33 =	vmul.f32 $2.400000000e+01, v4;
	v5 =	vtrunc.f32 v32  }
0x50: {  	v5 =	vcvt.f32.s32 v5  }
0x51: {  	v6 =	vtrunc.f32 v33  }
0x52: {  	v6 =	vcvt.f32.s32 v6;
	vm10 =	vgt.s32 v5, $0x0  }
0x53: {  	v5 =	vnsel vm10, $0x0, v5  }
0x54: {  	vm11 =	vgt.s32 v6, $0x0;
	v5 =	vmin.u32 v5, $0x17  }
0x55: {  	v6 =	vnsel vm11, $0x0, v6;
	v34 =	vadd.s32 $0x1, v5  }
0x56: {  	v6 =	vmin.u32 v6, $0x17  }
0x57: {  	v35 =	vadd.s32 $0x1, v6;
	_ =	sdelay $0x2  }
0x58: {  	v37 =	vld.idx.msk [tilespmem:v34+s10+$0x0], $0xffff  }
0x59: {  	v36 =	vld.idx.msk [tilespmem:v5+s10+$0x0], $0xffff  }
0x5a: {  	v39 =	vld.idx.msk [tilespmem:v35+s10+$0x0], $0xffff  }
0x5b: {  	v38 =	vld.idx.msk [tilespmem:v6+s10+$0x0], $0xffff;
	_ =	sdelay $0x1  }
0x5c: {  	vm12 =	vgt.f32 v3, v37  }
0x5d: {  	vm13 =	vle.f32 v3, v36;
	v3 =	vadd.s32 $0xFFFFFFFF, v5;
	v5 =	vsel vm12, v34, v5  }
0x5e: {  	v40 =	vadd.s32 $0xFFFFFFFF, v6;
	vm15 =	vgt.f32 v4, v39;
	v3 =	vsel vm13, v3, v5  }
0x5f: {  	vm14 =	vle.f32 v4, v38;
	v41 =	vsel vm15, v35, v6;
	v3 =	vmul.u32 $0x18, v3  }
0x60: {  	v4 =	vsel vm14, v40, v41  }
0x61: {  	v3 =	vadd.s32 v3, v4  }
0x62: {  	v3 =	vshll.u32 v3, $0x4  }
0x63: {  	v3 =	vor.u32 v2, v3;
	_ =	sdelay $0x4  }
0x64: {  	[tilespmem:v3+s11+$0x0] =	vst.idx.add.f32.msk $0xffff, v1  }
0x65: {  	v3 =	vld [tilespmem:s16+$0x0];
	_ =	sdelay $0x1  }
0x66: {  	v42 =	vld [tilespmem:s15+$0x0];
	_ =	sdelay $0x2  }
0x67: {  	v3 =	vadd.f32 $1.000000000e+00, v3;
	_ =	sdelay $0x1  }
0x68: {  	v4 =	vadd.f32 $1.000000000e+00, v42;
	v3 =	vmul.f32 $5.000000000e-01, v3;
	_ =	sdelay $0x1  }
0x69: {  	v4 =	vmul.f32 $5.000000000e-01, v4;
	v3 =	vmax.f32 v3, $1.000000050e-03  }
0x6a: {  	v3 =	vmin.f32 v3, $9.990000120e-01  }
0x6b: {  	v4 =	vmax.f32 v4, $1.000000050e-03;
	v43 =	vmul.f32 $2.400000000e+01, v3  }
0x6c: {  	v4 =	vmin.f32 v4, $9.990000120e-01  }
0x6d: {  	v44 =	vmul.f32 $2.400000000e+01, v4;
	v5 =	vtrunc.f32 v43  }
0x6e: {  	v5 =	vcvt.f32.s32 v5  }
0x6f: {  	v6 =	vtrunc.f32 v44  }
0x70: {  	v6 =	vcvt.f32.s32 v6;
	vm4 =	vgt.s32 v5, $0x0  }
0x71: {  	v5 =	vnsel vm4, $0x0, v5  }
0x72: {  	vm5 =	vgt.s32 v6, $0x0;
	v5 =	vmin.u32 v5, $0x17  }
0x73: {  	v6 =	vnsel vm5, $0x0, v6;
	v45 =	vadd.s32 $0x1, v5  }
0x74: {  	v6 =	vmin.u32 v6, $0x17  }
0x75: {  	v46 =	vadd.s32 $0x1, v6;
	_ =	sdelay $0x2  }
0x76: {  	v48 =	vld.idx.msk [tilespmem:v45+s10+$0x0], $0xffff  }
0x77: {  	v47 =	vld.idx.msk [tilespmem:v5+s10+$0x0], $0xffff  }
0x78: {  	v50 =	vld.idx.msk [tilespmem:v46+s10+$0x0], $0xffff  }
0x79: {  	v49 =	vld.idx.msk [tilespmem:v6+s10+$0x0], $0xffff;
	_ =	sdelay $0x1  }
0x7a: {  	vm6 =	vgt.f32 v3, v48  }
0x7b: {  	vm7 =	vle.f32 v3, v47;
	v3 =	vadd.s32 $0xFFFFFFFF, v5;
	v5 =	vsel vm6, v45, v5  }
0x7c: {  	v51 =	vadd.s32 $0xFFFFFFFF, v6;
	vm9 =	vgt.f32 v4, v50;
	v3 =	vsel vm7, v3, v5  }
0x7d: {  	vm8 =	vle.f32 v4, v49;
	v52 =	vsel vm9, v46, v6;
	v3 =	vmul.u32 $0x18, v3  }
0x7e: {  	v4 =	vsel vm8, v51, v52  }
0x7f: {  	v3 =	vadd.s32 v3, v4  }
0x80: {  	v3 =	vshll.u32 v3, $0x4  }
0x81: {  	v3 =	vor.u32 v2, v3;
	_ =	sdelay $0x4  }
0x82: {  	[tilespmem:v3+s11+$0x0] =	vst.idx.add.f32.msk $0xffff, v1  }
0x83: {  	v3 =	vld [tilespmem:s16+$0x10];
	_ =	sdelay $0x1  }
0x84: {  	v53 =	vld [tilespmem:s15+$0x10];
	_ =	sdelay $0x2  }
0x85: {  	v3 =	vadd.f32 $1.000000000e+00, v3;
	_ =	sdelay $0x1  }
0x86: {  	v4 =	vadd.f32 $1.000000000e+00, v53;
	v3 =	vmul.f32 $5.000000000e-01, v3;
	_ =	sdelay $0x1  }
0x87: {  	v4 =	vmul.f32 $5.000000000e-01, v4;
	v3 =	vmax.f32 v3, $1.000000050e-03  }
0x88: {  	v3 =	vmin.f32 v3, $9.990000120e-01  }
0x89: {  	v4 =	vmax.f32 v4, $1.000000050e-03;
	v54 =	vmul.f32 $2.400000000e+01, v3  }
0x8a: {  	v4 =	vmin.f32 v4, $9.990000120e-01  }
0x8b: {  	v55 =	vmul.f32 $2.400000000e+01, v4;
	v5 =	vtrunc.f32 v54  }
0x8c: {  	v5 =	vcvt.f32.s32 v5  }
0x8d: {  	v6 =	vtrunc.f32 v55  }
0x8e: {  	v6 =	vcvt.f32.s32 v6;
	vm10 =	vgt.s32 v5, $0x0  }
0x8f: {  	v5 =	vnsel vm10, $0x0, v5  }
0x90: {  	vm11 =	vgt.s32 v6, $0x0;
	v5 =	vmin.u32 v5, $0x17  }
0x91: {  	v6 =	vnsel vm11, $0x0, v6;
	v56 =	vadd.s32 $0x1, v5  }
0x92: {  	v6 =	vmin.u32 v6, $0x17  }
0x93: {  	v57 =	vadd.s32 $0x1, v6;
	_ =	sdelay $0x2  }
0x94: {  	v59 =	vld.idx.msk [tilespmem:v56+s10+$0x0], $0xffff  }
0x95: {  	v58 =	vld.idx.msk [tilespmem:v5+s10+$0x0], $0xffff  }
0x96: {  	v61 =	vld.idx.msk [tilespmem:v57+s10+$0x0], $0xffff  }
0x97: {  	v60 =	vld.idx.msk [tilespmem:v6+s10+$0x0], $0xffff;
	_ =	sdelay $0x1  }
0x98: {  	vm12 =	vgt.f32 v3, v59  }
0x99: {  	vm13 =	vle.f32 v3, v58;
	v3 =	vsel vm12, v56, v5;
	v5 =	vadd.s32 $0xFFFFFFFF, v5  }
0x9a: {  	v62 =	vadd.s32 $0xFFFFFFFF, v6;
	vm15 =	vgt.f32 v4, v61;
	v3 =	vsel vm13, v5, v3  }
0x9b: {  	vm14 =	vle.f32 v4, v60;
	v63 =	vsel vm15, v57, v6;
	v3 =	vmul.u32 $0x18, v3  }
0x9c: {  	v4 =	vsel vm14, v62, v63  }
0x9d: {  	v3 =	vadd.s32 v3, v4  }
0x9e: {  	s17 =	sadd.s32 $0x4, s17;
	v3 =	vshll.u32 v3, $0x4  }
0x9f: {  	p0 =	slt.u32 s17, $0x3FC;
	v3 =	vor.u32 v2, v3  }
.Ltmp1:
0xa0: {  	_ = 	snop;
	(pc) =	sbr.rel @p0 .LBB2_4-.Ltmp1, $2  }
0xa1: {  	_ =	sdelay $0x2  }
0xa2: {  	s15 =	sadd.s32 $0x40, s15;
	s16 =	sadd.s32 $0x40, s16;
	[tilespmem:v3+s11+$0x0] =	vst.idx.add.f32.msk $0xffff, v1  }
0xa3: {  	s14 =	sadd.s32 $0x1, s14  }
0xa4: {  	p0 =	sne.s32 s14, s7  }
.Ltmp2:
0xa5: {  	_ = 	snop;
	(pc) =	sbr.rel @p0 .LBB2_1-.Ltmp2, $4  }
0xa6: {  	[hbm4b:s6+s12] =	stream.strided.scatter [tilespmem:s11], [sflag:$0x1], $0x2400, s13, s12, $0x38;
	[tilespmem:$0xA480] =	vst v63  }
0xa7: {  	_ =	swait.ge [sflag:s8], $0x2400  }
0xa8: {  	[sflag:s8] =	ssyncset.done $0x0  }
0xa9: {  	[sflag:s8] =	ssyncadd.s32 $0xFFFFDC00  }
0xaa: {  	_ =	sfence.sel $0x180000  }
0xab: {  	[bflag:$0x0] =	sbarrier.arrive $0xFFFF  }
0xac: {  	p0 =	sne.s32 s0, $0x0;
	_ =	strace $0x90000047  }
0xad: {  	s0 =	sadd.s32 @!p0 $0x100000, s1;
	[bflag:$0x2] =	sbarrier.arrive $0xFFFF  }
0xae: {  	[sflag:s0] =	ssyncadd.tile.s32 @!p0 $0x1;
	_ =	shalt  }
.Lfunc_end2:
_tile_overlayer_lowered:
.L_overlay_start_2:
0xaf: {  	(tag) =	ssettag $0x2  }
0xb0: {  	s0 =	rddreg [dreg:$0x0];
	s2 =	stileid.u32  }
0xb1: {  	s1 =	rddreg [dreg:$0x1];
	p0 =	sne.s32 s2, $0x0  }
0xb2: {  	s3 =	rddreg [dreg:$0x2];
	[bflag:$0x3] =	sbarrier.arrive $0xFFFF;
	s2 =	simm.s32 @!p0 $0x1C01  }
0xb3: {  	[timem:s3], [sflag:s2] =	dma.local @!p0 [hbm:s0], s1  }
0xb4: {  	s0 =	simm.s32 @!p0 $0x1  }
0xb5: {  	_ =	swait.ge @!p0 [sflag:s0], s1  }
0xb6: {  	s1 =	ssub.s32 @!p0 $0x0, s1;
	[sflag:s0] =	ssyncset.done @!p0 $0x0  }
0xb7: {  	[sflag:s0] =	ssyncadd.s32 @!p0 s1  }
0xb8: {  	[bflag:$0x3] =	sbarrier.arrive $0xFFFF  }
0xb9: {  	_ =	shalt  }

</sc_bundles>
